<compile_context>
chip_gen: v7x
topology: tpu7x:2x2x1
jax: 0.10.2.dev20260603
libtpu: 0.0.44.dev20260713+nightly
codegen_flags: <defaults>
</compile_context>

<pallas_src>
import functools

import jax
import jax.numpy as jnp
from jax import lax
from jax.experimental import pallas as pl
from jax.experimental.pallas import tpu as pltpu
from jax.experimental.pallas import tpu_sc as plsc

_B = 64
_TMEL = 2048
_NCH = 80
_TSRC = 512
_BB = 4
_NG = _B // _BB
_NW = 32
_RPW = _B // _NW
_VEC = 16


def _tc_body(mt, mp, mq, mm3, dt, ldp, sv,
             o_s1, o_s2, o_dur, o_nsrc, acc, a1, a2):
    i = pl.program_id(0)

    @pl.when(i == 0)
    def _init():
        svv = sv[...]
        log_dur_trg = jnp.log(dt[...].astype(jnp.float32) + 1.0)
        acc[0] = jnp.sum(jnp.square(ldp[...] - log_dur_trg) * svv)
        acc[1] = jnp.sum(svv)
        a1[...] = jnp.zeros_like(a1)
        a2[...] = jnp.zeros_like(a2)

    t = mt[...]
    m = mm3[...]
    a1[...] += jnp.abs(mp[...] - t) * m
    a2[...] += jnp.abs(mq[...] - t) * m

    @pl.when(i == _NG - 1)
    def _fin():
        o_s1[0] = jnp.sum(a1[...])
        o_s2[0] = jnp.sum(a2[...])
        o_dur[0] = acc[0]
        o_nsrc[0] = acc[1]


_sc_mesh = plsc.VectorSubcoreMesh(core_axis_name="c", subcore_axis_name="s")


@functools.partial(
    pl.kernel,
    out_type=jax.ShapeDtypeStruct((3, _NW, _VEC), jnp.float32),
    mesh=_sc_mesh,
    scratch_types=[
        pltpu.VMEM((_RPW, _TMEL), jnp.float32),
        pltpu.VMEM((_RPW, _TMEL), jnp.float32),
        pltpu.VMEM((_RPW, _TMEL), jnp.float32),
        pltpu.VMEM((_RPW, _TMEL), jnp.float32),
        pltpu.VMEM((_RPW, _TMEL), jnp.float32),
        pltpu.VMEM((_VEC,), jnp.float32),
        pltpu.VMEM((_VEC,), jnp.float32),
        pltpu.VMEM((_VEC,), jnp.float32),
        pltpu.SemaphoreType.DMA,
    ],
)
def _sc_small(pt, pp, et, ep, mk, out, ptb, ppb, etb, epb, mkb,
              sp, se, sn, sem):
    w = lax.axis_index("s") * 2 + lax.axis_index("c")
    row = w * _RPW
    cps = (
        pltpu.async_copy(pt.at[pl.ds(row, _RPW), :], ptb, sem),
        pltpu.async_copy(pp.at[pl.ds(row, _RPW), :], ppb, sem),
        pltpu.async_copy(et.at[pl.ds(row, _RPW), :], etb, sem),
        pltpu.async_copy(ep.at[pl.ds(row, _RPW), :], epb, sem),
        pltpu.async_copy(mk.at[pl.ds(row, _RPW), :], mkb, sem),
    )
    for cp in cps:
        cp.wait()

    accp = jnp.zeros((_VEC,), jnp.float32)
    acce = jnp.zeros((_VEC,), jnp.float32)
    accn = jnp.zeros((_VEC,), jnp.float32)

    def body(j, carry):
        cp_, ce_, cn_ = carry
        for r in range(_RPW):
            sl = pl.ds(j * _VEC, _VEC)
            m = mkb[r, sl]
            dp = ppb[r, sl] - ptb[r, sl]
            de = epb[r, sl] - etb[r, sl]
            cp_ = cp_ + dp * dp * m
            ce_ = ce_ + de * de * m
            cn_ = cn_ + m
        return cp_, ce_, cn_

    accp, acce, accn = lax.fori_loop(0, _TMEL // _VEC, body, (accp, acce, accn))
    sp[...] = accp
    se[...] = acce
    sn[...] = accn
    pltpu.sync_copy(sp, out.at[0, w])
    pltpu.sync_copy(se, out.at[1, w])
    pltpu.sync_copy(sn, out.at[2, w])


def kernel(mel_trg, dur_trg, pitch_trg, energy_trg, mel_pred,
           mel_postnet_pred, log_dur_pred, pitch_pred, energy_pred,
           src_mask, mel_mask):
    mt = jnp.transpose(mel_trg, (0, 2, 1))
    mp = jnp.transpose(mel_pred, (0, 2, 1))
    mq = jnp.transpose(mel_postnet_pred, (0, 2, 1))
    mm2 = mel_mask.astype(jnp.float32)
    mm3 = mm2.reshape(_B, 1, _TMEL)
    sv = jnp.logical_not(src_mask).astype(jnp.float32)

    sc_out = _sc_small(pitch_trg, pitch_pred, energy_trg, energy_pred, mm2)

    mel_spec = pl.BlockSpec((_BB, _NCH, _TMEL), lambda i: (i, 0, 0))
    full = lambda shape: pl.BlockSpec(shape, lambda i: (0,) * len(shape))
    out_spec = pl.BlockSpec(memory_space=pltpu.SMEM)
    outs = pl.pallas_call(
        _tc_body,
        grid=(_NG,),
        in_specs=[
            mel_spec,
            mel_spec,
            mel_spec,
            pl.BlockSpec((_BB, 1, _TMEL), lambda i: (i, 0, 0)),
            full((_B, _TSRC)),
            full((_B, _TSRC)),
            full((_B, _TSRC)),
        ],
        out_specs=[out_spec] * 4,
        out_shape=[jax.ShapeDtypeStruct((1,), jnp.float32)] * 4,
        scratch_shapes=[pltpu.SMEM((2,), jnp.float32),
                        pltpu.VMEM((_BB, _NCH, _TMEL), jnp.float32),
                        pltpu.VMEM((_BB, _NCH, _TMEL), jnp.float32)],
    )(mt, mp, mq, mm3, dur_trg, log_dur_pred, sv)

    n_mel = jnp.sum(sc_out[2])
    n_src = outs[3][0]
    mel_loss = outs[0][0] / (n_mel * _NCH)
    post_loss = outs[1][0] / (n_mel * _NCH)
    pitch_loss = jnp.sum(sc_out[0]) / n_mel
    energy_loss = jnp.sum(sc_out[1]) / n_mel
    dur_loss = outs[2][0] / n_src
    total = mel_loss + post_loss + dur_loss + pitch_loss + energy_loss
    return (total, mel_loss, post_loss, dur_loss, pitch_loss, energy_loss)

# --- scband reference (transcript-rebuilt; emitter-appended) ---
"""Pipeline reference for scband-fast-speech2-loss-60378650247471 (READ-ONLY COPY).

The authoritative reference and input builder live on the scoring server;
editing this copy changes nothing except your own understanding.
"""

import jax, jax.numpy as jnp
import numpy as np


def setup_inputs(seed: int = 0) -> dict:
    key = jax.random.key(seed)
    ks = jax.random.split(key, 12)
    B, T_mel, n_mels, T_src = 64, 2048, 80, 512
    mel_trg = jax.random.normal(ks[0], (B, T_mel, n_mels), dtype=jnp.float32)
    dur_trg = jax.random.randint(ks[1], (B, T_src), 0, 20, dtype=jnp.int32)
    pitch_trg = jax.random.normal(ks[2], (B, T_mel), dtype=jnp.float32)
    energy_trg = jax.random.normal(ks[3], (B, T_mel), dtype=jnp.float32)
    mel_pred = jax.random.normal(ks[4], (B, T_mel, n_mels), dtype=jnp.float32)
    mel_postnet_pred = jax.random.normal(ks[5], (B, T_mel, n_mels), dtype=jnp.float32)
    log_dur_pred = jax.random.normal(ks[6], (B, T_src), dtype=jnp.float32)
    pitch_pred = jax.random.normal(ks[7], (B, T_mel), dtype=jnp.float32)
    energy_pred = jax.random.normal(ks[8], (B, T_mel), dtype=jnp.float32)
    # src_mask: True = padded (code inverts it before selecting)
    src_mask = jax.random.bernoulli(ks[9], 0.2, (B, T_src))
    # mel_mask: used directly by masked_select in the original code -> True = selected/valid
    mel_mask = jax.random.bernoulli(ks[10], 0.8, (B, T_mel))
    return {
        'mel_trg': mel_trg, 'dur_trg': dur_trg, 'pitch_trg': pitch_trg,
        'energy_trg': energy_trg, 'mel_pred': mel_pred,
        'mel_postnet_pred': mel_postnet_pred, 'log_dur_pred': log_dur_pred,
        'pitch_pred': pitch_pred, 'energy_pred': energy_pred,
        'src_mask': src_mask, 'mel_mask': mel_mask,
    }


def reference(mel_trg, dur_trg, pitch_trg, energy_trg, mel_pred,
              mel_postnet_pred, log_dur_pred, pitch_pred, energy_pred,
              src_mask, mel_mask):
    # src_mask = ~src_mask (invert padding mask -> valid positions)
    src_valid = jnp.logical_not(src_mask)
    log_dur_trg = jnp.log(dur_trg.astype(jnp.float32) + 1.0)
    T = mel_mask.shape[1]
    mel_trg = mel_trg[:, :T, :]
    # masked_select(...).mean() == mask-weighted sum / mask count (order-independent)
    mm = mel_mask.astype(jnp.float32)
    sm = src_valid.astype(jnp.float32)
    n_mel = jnp.sum(mm)
    n_src = jnp.sum(sm)
    n_ch = mel_trg.shape[-1]
    mel_loss = jnp.sum(jnp.abs(mel_pred - mel_trg) * mm[..., None]) / (n_mel * n_ch)
    mel_postnet_loss = jnp.sum(jnp.abs(mel_postnet_pred - mel_trg) * mm[..., None]) / (n_mel * n_ch)
    pitch_loss = jnp.sum(jnp.square(pitch_pred - pitch_trg) * mm) / n_mel
    energy_loss = jnp.sum(jnp.square(energy_pred - energy_trg) * mm) / n_mel
    dur_loss = jnp.sum(jnp.square(log_dur_pred - log_dur_trg) * sm) / n_src
    total_loss = mel_loss + mel_postnet_loss + dur_loss + pitch_loss + energy_loss
    return (total_loss, mel_loss, mel_postnet_loss, dur_loss, pitch_loss, energy_loss)

if __name__ == "__main__":
    import jax
    _d = setup_inputs()
    print(jax.jit(kernel)(*tuple(_d.values())))

</pallas_src>

<mosaic_0001>
#map = affine_map<(d0, d1) -> (0, 0)>
#map1 = affine_map<(d0, d1) -> (0, 0, 0)>
module attributes {stable_mosaic.version = 14 : i64} {
  func.func @_sc_small(%arg0: i32, %arg1: i32, %arg2: memref<64x2048xf32, #tpu.memory_space<hbm>>, %arg3: memref<64x2048xf32, #tpu.memory_space<hbm>>, %arg4: memref<64x2048xf32, #tpu.memory_space<hbm>>, %arg5: memref<64x2048xf32, #tpu.memory_space<hbm>>, %arg6: memref<64x2048xf32, #tpu.memory_space<hbm>>, %arg7: memref<3x32x16xf32, #tpu.memory_space<hbm>>, %arg8: memref<2x2048xf32, #tpu.memory_space<vmem>>, %arg9: memref<2x2048xf32, #tpu.memory_space<vmem>>, %arg10: memref<2x2048xf32, #tpu.memory_space<vmem>>, %arg11: memref<2x2048xf32, #tpu.memory_space<vmem>>, %arg12: memref<2x2048xf32, #tpu.memory_space<vmem>>, %arg13: memref<16xf32, #tpu.memory_space<vmem>>, %arg14: memref<16xf32, #tpu.memory_space<vmem>>, %arg15: memref<16xf32, #tpu.memory_space<vmem>>, %arg16: memref<!tpu.dma_semaphore, #tpu.memory_space<semaphore_mem>>) attributes {dimension_semantics = [#tpu.dimension_semantics<core_parallel>, #tpu.dimension_semantics<subcore_parallel>], iteration_bounds = array<i64: 2, 16>, scalar_prefetch = 0 : i64, scratch_operands = 9 : i64, tpu.core_type = #tpu.core_type<sc_vector_subcore>, window_params = [{transform_indices = #map}, {transform_indices = #map}, {transform_indices = #map}, {transform_indices = #map}, {transform_indices = #map}, {transform_indices = #map1}]} {
    %mul3A = arith.constant 2 : i32
    %mul3A_0 = arith.muli %arg1, %mul3A : i32
    %add3A = arith.addi %mul3A_0, %arg0 : i32
    %mul3A_1 = arith.constant 2 : i32
    %mul3A_2 = arith.muli %add3A, %mul3A_1 : i32
    %dma_start3A = arith.constant 0 : i32
    %dma_start3A_3 = tpu.memref_slice %arg2[%mul3A_2, %dma_start3A] : memref<64x2048xf32, #tpu.memory_space<hbm>> -> memref<2x2048xf32, #tpu.memory_space<hbm>>
    %dma_start3A_4 = arith.constant 0 : i32
    %dma_start3A_5 = tpu.memref_slice %arg2[%mul3A_2, %dma_start3A_4] : memref<64x2048xf32, #tpu.memory_space<hbm>> -> memref<2x2048xf32, #tpu.memory_space<hbm>>
    tpu.enqueue_dma source(%dma_start3A_5 : memref<2x2048xf32, #tpu.memory_space<hbm>>) target(%arg8 : memref<2x2048xf32, #tpu.memory_space<vmem>>) target_semaphore(%arg16 : memref<!tpu.dma_semaphore, #tpu.memory_space<semaphore_mem>>)
    %dma_start3A_6 = arith.constant 0 : i32
    %dma_start3A_7 = tpu.memref_slice %arg3[%mul3A_2, %dma_start3A_6] : memref<64x2048xf32, #tpu.memory_space<hbm>> -> memref<2x2048xf32, #tpu.memory_space<hbm>>
    %dma_start3A_8 = arith.constant 0 : i32
    %dma_start3A_9 = tpu.memref_slice %arg3[%mul3A_2, %dma_start3A_8] : memref<64x2048xf32, #tpu.memory_space<hbm>> -> memref<2x2048xf32, #tpu.memory_space<hbm>>
    tpu.enqueue_dma source(%dma_start3A_9 : memref<2x2048xf32, #tpu.memory_space<hbm>>) target(%arg9 : memref<2x2048xf32, #tpu.memory_space<vmem>>) target_semaphore(%arg16 : memref<!tpu.dma_semaphore, #tpu.memory_space<semaphore_mem>>)
    %dma_start3A_10 = arith.constant 0 : i32
    %dma_start3A_11 = tpu.memref_slice %arg4[%mul3A_2, %dma_start3A_10] : memref<64x2048xf32, #tpu.memory_space<hbm>> -> memref<2x2048xf32, #tpu.memory_space<hbm>>
    %dma_start3A_12 = arith.constant 0 : i32
    %dma_start3A_13 = tpu.memref_slice %arg4[%mul3A_2, %dma_start3A_12] : memref<64x2048xf32, #tpu.memory_space<hbm>> -> memref<2x2048xf32, #tpu.memory_space<hbm>>
    tpu.enqueue_dma source(%dma_start3A_13 : memref<2x2048xf32, #tpu.memory_space<hbm>>) target(%arg10 : memref<2x2048xf32, #tpu.memory_space<vmem>>) target_semaphore(%arg16 : memref<!tpu.dma_semaphore, #tpu.memory_space<semaphore_mem>>)
    %dma_start3A_14 = arith.constant 0 : i32
    %dma_start3A_15 = tpu.memref_slice %arg5[%mul3A_2, %dma_start3A_14] : memref<64x2048xf32, #tpu.memory_space<hbm>> -> memref<2x2048xf32, #tpu.memory_space<hbm>>
    %dma_start3A_16 = arith.constant 0 : i32
    %dma_start3A_17 = tpu.memref_slice %arg5[%mul3A_2, %dma_start3A_16] : memref<64x2048xf32, #tpu.memory_space<hbm>> -> memref<2x2048xf32, #tpu.memory_space<hbm>>
    tpu.enqueue_dma source(%dma_start3A_17 : memref<2x2048xf32, #tpu.memory_space<hbm>>) target(%arg11 : memref<2x2048xf32, #tpu.memory_space<vmem>>) target_semaphore(%arg16 : memref<!tpu.dma_semaphore, #tpu.memory_space<semaphore_mem>>)
    %dma_start3A_18 = arith.constant 0 : i32
    %dma_start3A_19 = tpu.memref_slice %arg6[%mul3A_2, %dma_start3A_18] : memref<64x2048xf32, #tpu.memory_space<hbm>> -> memref<2x2048xf32, #tpu.memory_space<hbm>>
    %dma_start3A_20 = arith.constant 0 : i32
    %dma_start3A_21 = tpu.memref_slice %arg6[%mul3A_2, %dma_start3A_20] : memref<64x2048xf32, #tpu.memory_space<hbm>> -> memref<2x2048xf32, #tpu.memory_space<hbm>>
    tpu.enqueue_dma source(%dma_start3A_21 : memref<2x2048xf32, #tpu.memory_space<hbm>>) target(%arg12 : memref<2x2048xf32, #tpu.memory_space<vmem>>) target_semaphore(%arg16 : memref<!tpu.dma_semaphore, #tpu.memory_space<semaphore_mem>>)
    %dma_wait3A = arith.constant 0 : i32
    %dma_wait3A_22 = tpu.memref_slice %arg2[%mul3A_2, %dma_wait3A] : memref<64x2048xf32, #tpu.memory_space<hbm>> -> memref<2x2048xf32, #tpu.memory_space<hbm>>
    %dma_wait3A_23 = arith.constant 0 : i32
    %dma_wait3A_24 = tpu.memref_slice %arg2[%mul3A_2, %dma_wait3A_23] : memref<64x2048xf32, #tpu.memory_space<hbm>> -> memref<2x2048xf32, #tpu.memory_space<hbm>>
    tpu.wait_dma2 semaphore(%arg16 : memref<!tpu.dma_semaphore, #tpu.memory_space<semaphore_mem>>) src(%dma_wait3A_24 : memref<2x2048xf32, #tpu.memory_space<hbm>>) dst(%arg8 : memref<2x2048xf32, #tpu.memory_space<vmem>>)
    %dma_wait3A_25 = arith.constant 0 : i32
    %dma_wait3A_26 = tpu.memref_slice %arg3[%mul3A_2, %dma_wait3A_25] : memref<64x2048xf32, #tpu.memory_space<hbm>> -> memref<2x2048xf32, #tpu.memory_space<hbm>>
    %dma_wait3A_27 = arith.constant 0 : i32
    %dma_wait3A_28 = tpu.memref_slice %arg3[%mul3A_2, %dma_wait3A_27] : memref<64x2048xf32, #tpu.memory_space<hbm>> -> memref<2x2048xf32, #tpu.memory_space<hbm>>
    tpu.wait_dma2 semaphore(%arg16 : memref<!tpu.dma_semaphore, #tpu.memory_space<semaphore_mem>>) src(%dma_wait3A_28 : memref<2x2048xf32, #tpu.memory_space<hbm>>) dst(%arg9 : memref<2x2048xf32, #tpu.memory_space<vmem>>)
    %dma_wait3A_29 = arith.constant 0 : i32
    %dma_wait3A_30 = tpu.memref_slice %arg4[%mul3A_2, %dma_wait3A_29] : memref<64x2048xf32, #tpu.memory_space<hbm>> -> memref<2x2048xf32, #tpu.memory_space<hbm>>
    %dma_wait3A_31 = arith.constant 0 : i32
    %dma_wait3A_32 = tpu.memref_slice %arg4[%mul3A_2, %dma_wait3A_31] : memref<64x2048xf32, #tpu.memory_space<hbm>> -> memref<2x2048xf32, #tpu.memory_space<hbm>>
    tpu.wait_dma2 semaphore(%arg16 : memref<!tpu.dma_semaphore, #tpu.memory_space<semaphore_mem>>) src(%dma_wait3A_32 : memref<2x2048xf32, #tpu.memory_space<hbm>>) dst(%arg10 : memref<2x2048xf32, #tpu.memory_space<vmem>>)
    %dma_wait3A_33 = arith.constant 0 : i32
    %dma_wait3A_34 = tpu.memref_slice %arg5[%mul3A_2, %dma_wait3A_33] : memref<64x2048xf32, #tpu.memory_space<hbm>> -> memref<2x2048xf32, #tpu.memory_space<hbm>>
    %dma_wait3A_35 = arith.constant 0 : i32
    %dma_wait3A_36 = tpu.memref_slice %arg5[%mul3A_2, %dma_wait3A_35] : memref<64x2048xf32, #tpu.memory_space<hbm>> -> memref<2x2048xf32, #tpu.memory_space<hbm>>
    tpu.wait_dma2 semaphore(%arg16 : memref<!tpu.dma_semaphore, #tpu.memory_space<semaphore_mem>>) src(%dma_wait3A_36 : memref<2x2048xf32, #tpu.memory_space<hbm>>) dst(%arg11 : memref<2x2048xf32, #tpu.memory_space<vmem>>)
    %dma_wait3A_37 = arith.constant 0 : i32
    %dma_wait3A_38 = tpu.memref_slice %arg6[%mul3A_2, %dma_wait3A_37] : memref<64x2048xf32, #tpu.memory_space<hbm>> -> memref<2x2048xf32, #tpu.memory_space<hbm>>
    %dma_wait3A_39 = arith.constant 0 : i32
    %dma_wait3A_40 = tpu.memref_slice %arg6[%mul3A_2, %dma_wait3A_39] : memref<64x2048xf32, #tpu.memory_space<hbm>> -> memref<2x2048xf32, #tpu.memory_space<hbm>>
    tpu.wait_dma2 semaphore(%arg16 : memref<!tpu.dma_semaphore, #tpu.memory_space<semaphore_mem>>) src(%dma_wait3A_40 : memref<2x2048xf32, #tpu.memory_space<hbm>>) dst(%arg12 : memref<2x2048xf32, #tpu.memory_space<vmem>>)
    %broadcast_in_dim3A = arith.constant 0.000000e+00 : f32
    %broadcast_in_dim3A_41 = vector.broadcast %broadcast_in_dim3A : f32 to vector<16xf32>
    %broadcast_in_dim3A_42 = arith.constant 0.000000e+00 : f32
    %broadcast_in_dim3A_43 = vector.broadcast %broadcast_in_dim3A_42 : f32 to vector<16xf32>
    %broadcast_in_dim3A_44 = arith.constant 0.000000e+00 : f32
    %broadcast_in_dim3A_45 = vector.broadcast %broadcast_in_dim3A_44 : f32 to vector<16xf32>
    %scan3A = arith.constant 0 : i32
    %scan3A_46 = arith.constant 128 : i32
    %scan3A_47 = arith.addi %scan3A, %scan3A_46 : i32
    %scan3A_48 = arith.constant 1 : i32
    %scan3A_49:3 = scf.for %scan3A_64 = %scan3A to %scan3A_47 step %scan3A_48 iter_args(%scan3A_65 = %broadcast_in_dim3A_41, %scan3A_66 = %broadcast_in_dim3A_43, %scan3A_67 = %broadcast_in_dim3A_45) -> (vector<16xf32>, vector<16xf32>, vector<16xf32>)  : i32 {
      %mul3A_68 = arith.constant 16 : i32
      %mul3A_69 = arith.muli %scan3A_64, %mul3A_68 : i32
      %get3A = arith.constant 0 : i32
      %get3A_70 = arith.index_cast %get3A : i32 to index
      %get3A_71 = arith.index_cast %mul3A_69 : i32 to index
      %get3A_72 = tpu.vector_load %arg12[%get3A_70, %get3A_71] {strides = array<i32>} : memref<2x2048xf32, #tpu.memory_space<vmem>>, vector<1x16xf32>,
      %get3A_73 = vector.shape_cast %get3A_72 : vector<1x16xf32> to vector<16xf32>
      %get3A_74 = arith.constant 0 : i32
      %get3A_75 = arith.index_cast %get3A_74 : i32 to index
      %get3A_76 = arith.index_cast %mul3A_69 : i32 to index
      %get3A_77 = tpu.vector_load %arg9[%get3A_75, %get3A_76] {strides = array<i32>} : memref<2x2048xf32, #tpu.memory_space<vmem>>, vector<1x16xf32>,
      %get3A_78 = vector.shape_cast %get3A_77 : vector<1x16xf32> to vector<16xf32>
      %get3A_79 = arith.constant 0 : i32
      %get3A_80 = arith.index_cast %get3A_79 : i32 to index
      %get3A_81 = arith.index_cast %mul3A_69 : i32 to index
      %get3A_82 = tpu.vector_load %arg8[%get3A_80, %get3A_81] {strides = array<i32>} : memref<2x2048xf32, #tpu.memory_space<vmem>>, vector<1x16xf32>,
      %get3A_83 = vector.shape_cast %get3A_82 : vector<1x16xf32> to vector<16xf32>
      %sub3A = arith.subf %get3A_78, %get3A_83 : vector<16xf32>
      %get3A_84 = arith.constant 0 : i32
      %get3A_85 = arith.index_cast %get3A_84 : i32 to index
      %get3A_86 = arith.index_cast %mul3A_69 : i32 to index
      %get3A_87 = tpu.vector_load %arg11[%get3A_85, %get3A_86] {strides = array<i32>} : memref<2x2048xf32, #tpu.memory_space<vmem>>, vector<1x16xf32>,
      %get3A_88 = vector.shape_cast %get3A_87 : vector<1x16xf32> to vector<16xf32>
      %get3A_89 = arith.constant 0 : i32
      %get3A_90 = arith.index_cast %get3A_89 : i32 to index
      %get3A_91 = arith.index_cast %mul3A_69 : i32 to index
      %get3A_92 = tpu.vector_load %arg10[%get3A_90, %get3A_91] {strides = array<i32>} : memref<2x2048xf32, #tpu.memory_space<vmem>>, vector<1x16xf32>,
      %get3A_93 = vector.shape_cast %get3A_92 : vector<1x16xf32> to vector<16xf32>
      %sub3A_94 = arith.subf %get3A_88, %get3A_93 : vector<16xf32>
      %mul3A_95 = arith.mulf %sub3A, %sub3A : vector<16xf32>
      %mul3A_96 = arith.mulf %mul3A_95, %get3A_73 : vector<16xf32>
      %add3A_97 = arith.addf %scan3A_65, %mul3A_96 : vector<16xf32>
      %mul3A_98 = arith.mulf %sub3A_94, %sub3A_94 : vector<16xf32>
      %mul3A_99 = arith.mulf %mul3A_98, %get3A_73 : vector<16xf32>
      %add3A_100 = arith.addf %scan3A_66, %mul3A_99 : vector<16xf32>
      %add3A_101 = arith.addf %scan3A_67, %get3A_73 : vector<16xf32>
      %mul3A_102 = arith.constant 16 : i32
      %mul3A_103 = arith.muli %scan3A_64, %mul3A_102 : i32
      %get3A_104 = arith.constant 1 : i32
      %get3A_105 = arith.index_cast %get3A_104 : i32 to index
      %get3A_106 = arith.index_cast %mul3A_103 : i32 to index
      %get3A_107 = tpu.vector_load %arg12[%get3A_105, %get3A_106] {strides = array<i32>} : memref<2x2048xf32, #tpu.memory_space<vmem>>, vector<1x16xf32>,
      %get3A_108 = vector.shape_cast %get3A_107 : vector<1x16xf32> to vector<16xf32>
      %get3A_109 = arith.constant 1 : i32
      %get3A_110 = arith.index_cast %get3A_109 : i32 to index
      %get3A_111 = arith.index_cast %mul3A_103 : i32 to index
      %get3A_112 = tpu.vector_load %arg9[%get3A_110, %get3A_111] {strides = array<i32>} : memref<2x2048xf32, #tpu.memory_space<vmem>>, vector<1x16xf32>,
      %get3A_113 = vector.shape_cast %get3A_112 : vector<1x16xf32> to vector<16xf32>
      %get3A_114 = arith.constant 1 : i32
      %get3A_115 = arith.index_cast %get3A_114 : i32 to index
      %get3A_116 = arith.index_cast %mul3A_103 : i32 to index
      %get3A_117 = tpu.vector_load %arg8[%get3A_115, %get3A_116] {strides = array<i32>} : memref<2x2048xf32, #tpu.memory_space<vmem>>, vector<1x16xf32>,
      %get3A_118 = vector.shape_cast %get3A_117 : vector<1x16xf32> to vector<16xf32>
      %sub3A_119 = arith.subf %get3A_113, %get3A_118 : vector<16xf32>
      %get3A_120 = arith.constant 1 : i32
      %get3A_121 = arith.index_cast %get3A_120 : i32 to index
      %get3A_122 = arith.index_cast %mul3A_103 : i32 to index
      %get3A_123 = tpu.vector_load %arg11[%get3A_121, %get3A_122] {strides = array<i32>} : memref<2x2048xf32, #tpu.memory_space<vmem>>, vector<1x16xf32>,
      %get3A_124 = vector.shape_cast %get3A_123 : vector<1x16xf32> to vector<16xf32>
      %get3A_125 = arith.constant 1 : i32
      %get3A_126 = arith.index_cast %get3A_125 : i32 to index
      %get3A_127 = arith.index_cast %mul3A_103 : i32 to index
      %get3A_128 = tpu.vector_load %arg10[%get3A_126, %get3A_127] {strides = array<i32>} : memref<2x2048xf32, #tpu.memory_space<vmem>>, vector<1x16xf32>,
      %get3A_129 = vector.shape_cast %get3A_128 : vector<1x16xf32> to vector<16xf32>
      %sub3A_130 = arith.subf %get3A_124, %get3A_129 : vector<16xf32>
      %mul3A_131 = arith.mulf %sub3A_119, %sub3A_119 : vector<16xf32>
      %mul3A_132 = arith.mulf %mul3A_131, %get3A_108 : vector<16xf32>
      %add3A_133 = arith.addf %add3A_97, %mul3A_132 : vector<16xf32>
      %mul3A_134 = arith.mulf %sub3A_130, %sub3A_130 : vector<16xf32>
      %mul3A_135 = arith.mulf %mul3A_134, %get3A_108 : vector<16xf32>
      %add3A_136 = arith.addf %add3A_100, %mul3A_135 : vector<16xf32>
      %add3A_137 = arith.addf %add3A_101, %get3A_108 : vector<16xf32>
      scf.yield %add3A_133, %add3A_136, %add3A_137 : vector<16xf32>, vector<16xf32>, vector<16xf32>
    }
    %scan3A_50 = arith.constant 128 : i32
    %swap3A = arith.constant 0 : index
    %swap3A_51 = tpu.vector_load %arg13[%swap3A] {strides = array<i32>} : memref<16xf32, #tpu.memory_space<vmem>>, vector<16xf32>,
    %swap3A_52 = vector.shape_cast %swap3A_51 : vector<16xf32> to vector<16xf32>
    %swap3A_53 = vector.shape_cast %scan3A_49#0 : vector<16xf32> to vector<16xf32>
    tpu.vector_store %arg13[%swap3A], %swap3A_53 {strides = array<i32>} : memref<16xf32, #tpu.memory_space<vmem>>, vector<16xf32>,
    %swap3A_54 = arith.constant 0 : index
    %swap3A_55 = tpu.vector_load %arg14[%swap3A_54] {strides = array<i32>} : memref<16xf32, #tpu.memory_space<vmem>>, vector<16xf32>,
    %swap3A_56 = vector.shape_cast %swap3A_55 : vector<16xf32> to vector<16xf32>
    %swap3A_57 = vector.shape_cast %scan3A_49#1 : vector<16xf32> to vector<16xf32>
    tpu.vector_store %arg14[%swap3A_54], %swap3A_57 {strides = array<i32>} : memref<16xf32, #tpu.memory_space<vmem>>, vector<16xf32>,
    %swap3A_58 = arith.constant 0 : index
    %swap3A_59 = tpu.vector_load %arg15[%swap3A_58] {strides = array<i32>} : memref<16xf32, #tpu.memory_space<vmem>>, vector<16xf32>,
    %swap3A_60 = vector.shape_cast %swap3A_59 : vector<16xf32> to vector<16xf32>
    %swap3A_61 = vector.shape_cast %scan3A_49#2 : vector<16xf32> to vector<16xf32>
    tpu.vector_store %arg15[%swap3A_58], %swap3A_61 {strides = array<i32>} : memref<16xf32, #tpu.memory_space<vmem>>, vector<16xf32>,
    %run_scoped3A = arith.constant 0 : i32
    "tpu.region"() ({
      %run_scoped3A_64 = tpu.sem_alloc : memref<!tpu.dma_semaphore, #tpu.memory_space<semaphore_mem>>
      %dma_start3A_65 = arith.constant 0 : i32
      %dma_start3A_66 = tpu.memref_slice %arg7[%run_scoped3A, %add3A, %dma_start3A_65] : memref<3x32x16xf32, #tpu.memory_space<hbm>> -> memref<1x1x16xf32, #tpu.memory_space<hbm>>
      %dma_start3A_67 = tpu.memref_squeeze %dma_start3A_66 : memref<1x1x16xf32, #tpu.memory_space<hbm>> -> memref<16xf32, #tpu.memory_space<hbm>>
      %dma_start3A_68 = arith.constant 0 : i32
      %dma_start3A_69 = tpu.memref_slice %arg7[%run_scoped3A, %add3A, %dma_start3A_68] : memref<3x32x16xf32, #tpu.memory_space<hbm>> -> memref<1x1x16xf32, #tpu.memory_space<hbm>>
      %dma_start3A_70 = tpu.memref_squeeze %dma_start3A_69 : memref<1x1x16xf32, #tpu.memory_space<hbm>> -> memref<16xf32, #tpu.memory_space<hbm>>
      tpu.enqueue_dma source(%arg13 : memref<16xf32, #tpu.memory_space<vmem>>) target(%dma_start3A_70 : memref<16xf32, #tpu.memory_space<hbm>>) target_semaphore(%run_scoped3A_64 : memref<!tpu.dma_semaphore, #tpu.memory_space<semaphore_mem>>)
      %dma_wait3A_71 = arith.constant 0 : i32
      %dma_wait3A_72 = tpu.memref_slice %arg7[%run_scoped3A, %add3A, %dma_wait3A_71] : memref<3x32x16xf32, #tpu.memory_space<hbm>> -> memref<1x1x16xf32, #tpu.memory_space<hbm>>
      %dma_wait3A_73 = tpu.memref_squeeze %dma_wait3A_72 : memref<1x1x16xf32, #tpu.memory_space<hbm>> -> memref<16xf32, #tpu.memory_space<hbm>>
      %dma_wait3A_74 = arith.constant 0 : i32
      %dma_wait3A_75 = tpu.memref_slice %arg7[%run_scoped3A, %add3A, %dma_wait3A_74] : memref<3x32x16xf32, #tpu.memory_space<hbm>> -> memref<1x1x16xf32, #tpu.memory_space<hbm>>
      %dma_wait3A_76 = tpu.memref_squeeze %dma_wait3A_75 : memref<1x1x16xf32, #tpu.memory_space<hbm>> -> memref<16xf32, #tpu.memory_space<hbm>>
      tpu.wait_dma2 semaphore(%run_scoped3A_64 : memref<!tpu.dma_semaphore, #tpu.memory_space<semaphore_mem>>) src(%arg13 : memref<16xf32, #tpu.memory_space<vmem>>) dst(%dma_wait3A_76 : memref<16xf32, #tpu.memory_space<hbm>>)
      tpu.yield
    }) : () -> ()
    %run_scoped3A_62 = arith.constant 1 : i32
    "tpu.region"() ({
      %run_scoped3A_64 = tpu.sem_alloc : memref<!tpu.dma_semaphore, #tpu.memory_space<semaphore_mem>>
      %dma_start3A_65 = arith.constant 0 : i32
      %dma_start3A_66 = tpu.memref_slice %arg7[%run_scoped3A_62, %add3A, %dma_start3A_65] : memref<3x32x16xf32, #tpu.memory_space<hbm>> -> memref<1x1x16xf32, #tpu.memory_space<hbm>>
      %dma_start3A_67 = tpu.memref_squeeze %dma_start3A_66 : memref<1x1x16xf32, #tpu.memory_space<hbm>> -> memref<16xf32, #tpu.memory_space<hbm>>
      %dma_start3A_68 = arith.constant 0 : i32
      %dma_start3A_69 = tpu.memref_slice %arg7[%run_scoped3A_62, %add3A, %dma_start3A_68] : memref<3x32x16xf32, #tpu.memory_space<hbm>> -> memref<1x1x16xf32, #tpu.memory_space<hbm>>
      %dma_start3A_70 = tpu.memref_squeeze %dma_start3A_69 : memref<1x1x16xf32, #tpu.memory_space<hbm>> -> memref<16xf32, #tpu.memory_space<hbm>>
      tpu.enqueue_dma source(%arg14 : memref<16xf32, #tpu.memory_space<vmem>>) target(%dma_start3A_70 : memref<16xf32, #tpu.memory_space<hbm>>) target_semaphore(%run_scoped3A_64 : memref<!tpu.dma_semaphore, #tpu.memory_space<semaphore_mem>>)
      %dma_wait3A_71 = arith.constant 0 : i32
      %dma_wait3A_72 = tpu.memref_slice %arg7[%run_scoped3A_62, %add3A, %dma_wait3A_71] : memref<3x32x16xf32, #tpu.memory_space<hbm>> -> memref<1x1x16xf32, #tpu.memory_space<hbm>>
      %dma_wait3A_73 = tpu.memref_squeeze %dma_wait3A_72 : memref<1x1x16xf32, #tpu.memory_space<hbm>> -> memref<16xf32, #tpu.memory_space<hbm>>
      %dma_wait3A_74 = arith.constant 0 : i32
      %dma_wait3A_75 = tpu.memref_slice %arg7[%run_scoped3A_62, %add3A, %dma_wait3A_74] : memref<3x32x16xf32, #tpu.memory_space<hbm>> -> memref<1x1x16xf32, #tpu.memory_space<hbm>>
      %dma_wait3A_76 = tpu.memref_squeeze %dma_wait3A_75 : memref<1x1x16xf32, #tpu.memory_space<hbm>> -> memref<16xf32, #tpu.memory_space<hbm>>
      tpu.wait_dma2 semaphore(%run_scoped3A_64 : memref<!tpu.dma_semaphore, #tpu.memory_space<semaphore_mem>>) src(%arg14 : memref<16xf32, #tpu.memory_space<vmem>>) dst(%dma_wait3A_76 : memref<16xf32, #tpu.memory_space<hbm>>)
      tpu.yield
    }) : () -> ()
    %run_scoped3A_63 = arith.constant 2 : i32
    "tpu.region"() ({
      %run_scoped3A_64 = tpu.sem_alloc : memref<!tpu.dma_semaphore, #tpu.memory_space<semaphore_mem>>
      %dma_start3A_65 = arith.constant 0 : i32
      %dma_start3A_66 = tpu.memref_slice %arg7[%run_scoped3A_63, %add3A, %dma_start3A_65] : memref<3x32x16xf32, #tpu.memory_space<hbm>> -> memref<1x1x16xf32, #tpu.memory_space<hbm>>
      %dma_start3A_67 = tpu.memref_squeeze %dma_start3A_66 : memref<1x1x16xf32, #tpu.memory_space<hbm>> -> memref<16xf32, #tpu.memory_space<hbm>>
      %dma_start3A_68 = arith.constant 0 : i32
      %dma_start3A_69 = tpu.memref_slice %arg7[%run_scoped3A_63, %add3A, %dma_start3A_68] : memref<3x32x16xf32, #tpu.memory_space<hbm>> -> memref<1x1x16xf32, #tpu.memory_space<hbm>>
      %dma_start3A_70 = tpu.memref_squeeze %dma_start3A_69 : memref<1x1x16xf32, #tpu.memory_space<hbm>> -> memref<16xf32, #tpu.memory_space<hbm>>
      tpu.enqueue_dma source(%arg15 : memref<16xf32, #tpu.memory_space<vmem>>) target(%dma_start3A_70 : memref<16xf32, #tpu.memory_space<hbm>>) target_semaphore(%run_scoped3A_64 : memref<!tpu.dma_semaphore, #tpu.memory_space<semaphore_mem>>)
      %dma_wait3A_71 = arith.constant 0 : i32
      %dma_wait3A_72 = tpu.memref_slice %arg7[%run_scoped3A_63, %add3A, %dma_wait3A_71] : memref<3x32x16xf32, #tpu.memory_space<hbm>> -> memref<1x1x16xf32, #tpu.memory_space<hbm>>
      %dma_wait3A_73 = tpu.memref_squeeze %dma_wait3A_72 : memref<1x1x16xf32, #tpu.memory_space<hbm>> -> memref<16xf32, #tpu.memory_space<hbm>>
      %dma_wait3A_74 = arith.constant 0 : i32
      %dma_wait3A_75 = tpu.memref_slice %arg7[%run_scoped3A_63, %add3A, %dma_wait3A_74] : memref<3x32x16xf32, #tpu.memory_space<hbm>> -> memref<1x1x16xf32, #tpu.memory_space<hbm>>
      %dma_wait3A_76 = tpu.memref_squeeze %dma_wait3A_75 : memref<1x1x16xf32, #tpu.memory_space<hbm>> -> memref<16xf32, #tpu.memory_space<hbm>>
      tpu.wait_dma2 semaphore(%run_scoped3A_64 : memref<!tpu.dma_semaphore, #tpu.memory_space<semaphore_mem>>) src(%arg15 : memref<16xf32, #tpu.memory_space<vmem>>) dst(%dma_wait3A_76 : memref<16xf32, #tpu.memory_space<hbm>>)
      tpu.yield
    }) : () -> ()
    return
  }
}

module attributes {stable_mosaic.version = 14 : i64} {
  func.func @_tc_body(%arg0: i32, %arg1: memref<4x80x2048xf32, #tpu.memory_space<vmem>>, %arg2: memref<4x80x2048xf32, #tpu.memory_space<vmem>>, %arg3: memref<4x80x2048xf32, #tpu.memory_space<vmem>>, %arg4: memref<4x1x2048xf32, #tpu.memory_space<vmem>>, %arg5: memref<64x512xi32, #tpu.memory_space<vmem>>, %arg6: memref<64x512xf32, #tpu.memory_space<vmem>>, %arg7: memref<64x512xf32, #tpu.memory_space<vmem>>, %arg8: memref<1xf32, #tpu.memory_space<smem>>, %arg9: memref<1xf32, #tpu.memory_space<smem>>, %arg10: memref<1xf32, #tpu.memory_space<smem>>, %arg11: memref<1xf32, #tpu.memory_space<smem>>, %arg12: memref<2xf32, #tpu.memory_space<smem>>, %arg13: memref<4x80x2048xf32, #tpu.memory_space<vmem>>, %arg14: memref<4x80x2048xf32, #tpu.memory_space<vmem>>) attributes {dimension_semantics = [#tpu.dimension_semantics<arbitrary>], iteration_bounds = array<i64: 16>, scalar_prefetch = 0 : i64, scratch_operands = 3 : i64, tpu.core_type = #tpu.core_type<tc>, window_params = [{transform_indices = @transform_0, window_bounds = array<i64: 4, 80, 2048>}, {transform_indices = @transform_1, window_bounds = array<i64: 4, 80, 2048>}, {transform_indices = @transform_2, window_bounds = array<i64: 4, 80, 2048>}, {transform_indices = @transform_3, window_bounds = array<i64: 4, 1, 2048>}, {pipeline_mode = #tpu.pipeline_mode<synchronous>, transform_indices = @transform_4, window_bounds = array<i64: 64, 512>}, {pipeline_mode = #tpu.pipeline_mode<synchronous>, transform_indices = @transform_5, window_bounds = array<i64: 64, 512>}, {pipeline_mode = #tpu.pipeline_mode<synchronous>, transform_indices = @transform_6, window_bounds = array<i64: 64, 512>}, {transform_indices = @transform_7, window_bounds = array<i64: 1>}, {transform_indices = @transform_8, window_bounds = array<i64: 1>}, {transform_indices = @transform_9, window_bounds = array<i64: 1>}, {transform_indices = @transform_10, window_bounds = array<i64: 1>}]} {
    %eq3A = arith.constant 0 : i32
    %eq3A_0 = arith.cmpi eq, %arg0, %eq3A : i32
    %convert_element_type3A = arith.extui %eq3A_0 : i1 to i32
    %cond3A = arith.constant 0 : i32
    %cond3A_1 = arith.cmpi ne, %convert_element_type3A, %cond3A : i32
    scf.if %cond3A_1 {
      %get3A_43 = arith.constant 0 : index
      %get3A_44 = arith.constant 0 : index
      %get3A_45 = vector.load %arg7[%get3A_43, %get3A_44] : memref<64x512xf32, #tpu.memory_space<vmem>>, vector<64x512xf32>
      %get3A_46 = arith.constant 0 : index
      %get3A_47 = arith.constant 0 : index
      %get3A_48 = vector.load %arg5[%get3A_46, %get3A_47] : memref<64x512xi32, #tpu.memory_space<vmem>>, vector<64x512xi32>
      %convert_element_type3A_49 = arith.sitofp %get3A_48 : vector<64x512xi32> to vector<64x512xf32>
      %add3A_50 = arith.constant 1.000000e+00 : f32
      %add3A_51 = vector.broadcast %add3A_50 : f32 to vector<64x512xf32>
      %add3A_52 = arith.addf %convert_element_type3A_49, %add3A_51 : vector<64x512xf32>
      %log3A = math.log %add3A_52 : vector<64x512xf32>
      %get3A_53 = arith.constant 0 : index
      %get3A_54 = arith.constant 0 : index
      %get3A_55 = vector.load %arg6[%get3A_53, %get3A_54] : memref<64x512xf32, #tpu.memory_space<vmem>>, vector<64x512xf32>
      %sub3A_56 = arith.subf %get3A_55, %log3A : vector<64x512xf32>
      %square3A = arith.mulf %sub3A_56, %sub3A_56 : vector<64x512xf32>
      %mul3A_57 = arith.mulf %square3A, %get3A_45 : vector<64x512xf32>
      %reduce_sum3A = vector.shape_cast %mul3A_57 : vector<64x512xf32> to vector<1x64x512xf32>
      %reduce_sum3A_58 = arith.constant dense<0.000000e+00> : vector<1xf32>
      %reduce_sum3A_59 = vector.multi_reduction <add>, %reduce_sum3A, %reduce_sum3A_58 [1, 2] : vector<1x64x512xf32> to vector<1xf32>
      %reduce_sum3A_60 = vector.shape_cast %reduce_sum3A_59 : vector<1xf32> to vector<1x1x1xf32>
      %reduce_sum3A_61 = vector.extract %reduce_sum3A_60[0, 0, 0] : f32 from vector<1x1x1xf32>
      %swap3A_62 = arith.constant 0 : index
      %swap3A_63 = memref.load %arg12[%swap3A_62] : memref<2xf32, #tpu.memory_space<smem>>
      memref.store %reduce_sum3A_61, %arg12[%swap3A_62] : memref<2xf32, #tpu.memory_space<smem>>
      %reduce_sum3A_64 = vector.shape_cast %get3A_45 : vector<64x512xf32> to vector<1x64x512xf32>
      %reduce_sum3A_65 = arith.constant dense<0.000000e+00> : vector<1xf32>
      %reduce_sum3A_66 = vector.multi_reduction <add>, %reduce_sum3A_64, %reduce_sum3A_65 [1, 2] : vector<1x64x512xf32> to vector<1xf32>
      %reduce_sum3A_67 = vector.shape_cast %reduce_sum3A_66 : vector<1xf32> to vector<1x1x1xf32>
      %reduce_sum3A_68 = vector.extract %reduce_sum3A_67[0, 0, 0] : f32 from vector<1x1x1xf32>
      %swap3A_69 = arith.constant 1 : index
      %swap3A_70 = memref.load %arg12[%swap3A_69] : memref<2xf32, #tpu.memory_space<smem>>
      memref.store %reduce_sum3A_68, %arg12[%swap3A_69] : memref<2xf32, #tpu.memory_space<smem>>
      %broadcast_in_dim3A = arith.constant 0.000000e+00 : f32
      %broadcast_in_dim3A_71 = vector.broadcast %broadcast_in_dim3A : f32 to vector<4x80x2048xf32>
      %swap3A_72 = arith.constant 0 : index
      %swap3A_73 = arith.constant 0 : index
      %swap3A_74 = arith.constant 0 : index
      %swap3A_75 = vector.load %arg13[%swap3A_72, %swap3A_73, %swap3A_74] : memref<4x80x2048xf32, #tpu.memory_space<vmem>>, vector<4x80x2048xf32>
      tpu.vector_store %arg13[%swap3A_72, %swap3A_73, %swap3A_74], %broadcast_in_dim3A_71 {strides = array<i32>} : memref<4x80x2048xf32, #tpu.memory_space<vmem>>, vector<4x80x2048xf32>,
      %broadcast_in_dim3A_76 = arith.constant 0.000000e+00 : f32
      %broadcast_in_dim3A_77 = vector.broadcast %broadcast_in_dim3A_76 : f32 to vector<4x80x2048xf32>
      %swap3A_78 = arith.constant 0 : index
      %swap3A_79 = arith.constant 0 : index
      %swap3A_80 = arith.constant 0 : index
      %swap3A_81 = vector.load %arg14[%swap3A_78, %swap3A_79, %swap3A_80] : memref<4x80x2048xf32, #tpu.memory_space<vmem>>, vector<4x80x2048xf32>
      tpu.vector_store %arg14[%swap3A_78, %swap3A_79, %swap3A_80], %broadcast_in_dim3A_77 {strides = array<i32>} : memref<4x80x2048xf32, #tpu.memory_space<vmem>>, vector<4x80x2048xf32>,
    } else {
    }
    %get3A = arith.constant 0 : index
    %get3A_2 = arith.constant 0 : index
    %get3A_3 = arith.constant 0 : index
    %get3A_4 = vector.load %arg1[%get3A, %get3A_2, %get3A_3] : memref<4x80x2048xf32, #tpu.memory_space<vmem>>, vector<4x80x2048xf32>
    %get3A_5 = arith.constant 0 : index
    %get3A_6 = arith.constant 0 : index
    %get3A_7 = arith.constant 0 : index
    %get3A_8 = vector.load %arg4[%get3A_5, %get3A_6, %get3A_7] : memref<4x1x2048xf32, #tpu.memory_space<vmem>>, vector<4x1x2048xf32>
    %get3A_9 = arith.constant 0 : index
    %get3A_10 = arith.constant 0 : index
    %get3A_11 = arith.constant 0 : index
    %get3A_12 = vector.load %arg13[%get3A_9, %get3A_10, %get3A_11] : memref<4x80x2048xf32, #tpu.memory_space<vmem>>, vector<4x80x2048xf32>
    %get3A_13 = arith.constant 0 : index
    %get3A_14 = arith.constant 0 : index
    %get3A_15 = arith.constant 0 : index
    %get3A_16 = vector.load %arg2[%get3A_13, %get3A_14, %get3A_15] : memref<4x80x2048xf32, #tpu.memory_space<vmem>>, vector<4x80x2048xf32>
    %sub3A = arith.subf %get3A_16, %get3A_4 : vector<4x80x2048xf32>
    %abs3A = math.absf %sub3A : vector<4x80x2048xf32>
    %mul3A = vector.broadcast %get3A_8 : vector<4x1x2048xf32> to vector<4x80x2048xf32>
    %mul3A_17 = arith.mulf %abs3A, %mul3A : vector<4x80x2048xf32>
    %add3A = arith.addf %get3A_12, %mul3A_17 : vector<4x80x2048xf32>
    %swap3A = arith.constant 0 : index
    %swap3A_18 = arith.constant 0 : index
    %swap3A_19 = arith.constant 0 : index
    %swap3A_20 = vector.load %arg13[%swap3A, %swap3A_18, %swap3A_19] : memref<4x80x2048xf32, #tpu.memory_space<vmem>>, vector<4x80x2048xf32>
    tpu.vector_store %arg13[%swap3A, %swap3A_18, %swap3A_19], %add3A {strides = array<i32>} : memref<4x80x2048xf32, #tpu.memory_space<vmem>>, vector<4x80x2048xf32>,
    %get3A_21 = arith.constant 0 : index
    %get3A_22 = arith.constant 0 : index
    %get3A_23 = arith.constant 0 : index
    %get3A_24 = vector.load %arg14[%get3A_21, %get3A_22, %get3A_23] : memref<4x80x2048xf32, #tpu.memory_space<vmem>>, vector<4x80x2048xf32>
    %get3A_25 = arith.constant 0 : index
    %get3A_26 = arith.constant 0 : index
    %get3A_27 = arith.constant 0 : index
    %get3A_28 = vector.load %arg3[%get3A_25, %get3A_26, %get3A_27] : memref<4x80x2048xf32, #tpu.memory_space<vmem>>, vector<4x80x2048xf32>
    %sub3A_29 = arith.subf %get3A_28, %get3A_4 : vector<4x80x2048xf32>
    %abs3A_30 = math.absf %sub3A_29 : vector<4x80x2048xf32>
    %mul3A_31 = vector.broadcast %get3A_8 : vector<4x1x2048xf32> to vector<4x80x2048xf32>
    %mul3A_32 = arith.mulf %abs3A_30, %mul3A_31 : vector<4x80x2048xf32>
    %add3A_33 = arith.addf %get3A_24, %mul3A_32 : vector<4x80x2048xf32>
    %swap3A_34 = arith.constant 0 : index
    %swap3A_35 = arith.constant 0 : index
    %swap3A_36 = arith.constant 0 : index
    %swap3A_37 = vector.load %arg14[%swap3A_34, %swap3A_35, %swap3A_36] : memref<4x80x2048xf32, #tpu.memory_space<vmem>>, vector<4x80x2048xf32>
    tpu.vector_store %arg14[%swap3A_34, %swap3A_35, %swap3A_36], %add3A_33 {strides = array<i32>} : memref<4x80x2048xf32, #tpu.memory_space<vmem>>, vector<4x80x2048xf32>,
    %eq3A_38 = arith.constant 15 : i32
    %eq3A_39 = arith.cmpi eq, %arg0, %eq3A_38 : i32
    %convert_element_type3A_40 = arith.extui %eq3A_39 : i1 to i32
    %cond3A_41 = arith.constant 0 : i32
    %cond3A_42 = arith.cmpi ne, %convert_element_type3A_40, %cond3A_41 : i32
    scf.if %cond3A_42 {
      %get3A_43 = arith.constant 0 : index
      %get3A_44 = arith.constant 0 : index
      %get3A_45 = arith.constant 0 : index
      %get3A_46 = vector.load %arg13[%get3A_43, %get3A_44, %get3A_45] : memref<4x80x2048xf32, #tpu.memory_space<vmem>>, vector<4x80x2048xf32>
      %reduce_sum3A = vector.shape_cast %get3A_46 : vector<4x80x2048xf32> to vector<1x4x80x2048xf32>
      %reduce_sum3A_47 = arith.constant dense<0.000000e+00> : vector<1xf32>
      %reduce_sum3A_48 = vector.multi_reduction <add>, %reduce_sum3A, %reduce_sum3A_47 [1, 2, 3] : vector<1x4x80x2048xf32> to vector<1xf32>
      %reduce_sum3A_49 = vector.shape_cast %reduce_sum3A_48 : vector<1xf32> to vector<1x1x1x1xf32>
      %reduce_sum3A_50 = vector.extract %reduce_sum3A_49[0, 0, 0, 0] : f32 from vector<1x1x1x1xf32>
      %swap3A_51 = arith.constant 0 : index
      %swap3A_52 = memref.load %arg8[%swap3A_51] : memref<1xf32, #tpu.memory_space<smem>>
      memref.store %reduce_sum3A_50, %arg8[%swap3A_51] : memref<1xf32, #tpu.memory_space<smem>>
      %get3A_53 = arith.constant 0 : index
      %get3A_54 = arith.constant 0 : index
      %get3A_55 = arith.constant 0 : index
      %get3A_56 = vector.load %arg14[%get3A_53, %get3A_54, %get3A_55] : memref<4x80x2048xf32, #tpu.memory_space<vmem>>, vector<4x80x2048xf32>
      %reduce_sum3A_57 = vector.shape_cast %get3A_56 : vector<4x80x2048xf32> to vector<1x4x80x2048xf32>
      %reduce_sum3A_58 = arith.constant dense<0.000000e+00> : vector<1xf32>
      %reduce_sum3A_59 = vector.multi_reduction <add>, %reduce_sum3A_57, %reduce_sum3A_58 [1, 2, 3] : vector<1x4x80x2048xf32> to vector<1xf32>
      %reduce_sum3A_60 = vector.shape_cast %reduce_sum3A_59 : vector<1xf32> to vector<1x1x1x1xf32>
      %reduce_sum3A_61 = vector.extract %reduce_sum3A_60[0, 0, 0, 0] : f32 from vector<1x1x1x1xf32>
      %swap3A_62 = arith.constant 0 : index
      %swap3A_63 = memref.load %arg9[%swap3A_62] : memref<1xf32, #tpu.memory_space<smem>>
      memref.store %reduce_sum3A_61, %arg9[%swap3A_62] : memref<1xf32, #tpu.memory_space<smem>>
      %get3A_64 = arith.constant 0 : index
      %get3A_65 = memref.load %arg12[%get3A_64] : memref<2xf32, #tpu.memory_space<smem>>
      %swap3A_66 = arith.constant 0 : index
      %swap3A_67 = memref.load %arg10[%swap3A_66] : memref<1xf32, #tpu.memory_space<smem>>
      memref.store %get3A_65, %arg10[%swap3A_66] : memref<1xf32, #tpu.memory_space<smem>>
      %get3A_68 = arith.constant 1 : index
      %get3A_69 = memref.load %arg12[%get3A_68] : memref<2xf32, #tpu.memory_space<smem>>
      %swap3A_70 = arith.constant 0 : index
      %swap3A_71 = memref.load %arg11[%swap3A_70] : memref<1xf32, #tpu.memory_space<smem>>
      memref.store %get3A_69, %arg11[%swap3A_70] : memref<1xf32, #tpu.memory_space<smem>>
    } else {
    }
    return
  }
  func.func @transform_0(%arg0: i32) -> (i32, i32, i32) {
    %c0_i32 = arith.constant 0 : i32
    %c0_i32_0 = arith.constant 0 : i32
    %c0_i32_1 = arith.constant 0 : i32
    return %arg0, %c0_i32, %c0_i32_0 : i32, i32, i32
  }
  func.func @transform_1(%arg0: i32) -> (i32, i32, i32) {
    %c0_i32 = arith.constant 0 : i32
    %c0_i32_0 = arith.constant 0 : i32
    %c0_i32_1 = arith.constant 0 : i32
    return %arg0, %c0_i32, %c0_i32_0 : i32, i32, i32
  }
  func.func @transform_2(%arg0: i32) -> (i32, i32, i32) {
    %c0_i32 = arith.constant 0 : i32
    %c0_i32_0 = arith.constant 0 : i32
    %c0_i32_1 = arith.constant 0 : i32
    return %arg0, %c0_i32, %c0_i32_0 : i32, i32, i32
  }
  func.func @transform_3(%arg0: i32) -> (i32, i32, i32) {
    %c0_i32 = arith.constant 0 : i32
    %c0_i32_0 = arith.constant 0 : i32
    %c0_i32_1 = arith.constant 0 : i32
    return %arg0, %c0_i32, %c0_i32_0 : i32, i32, i32
  }
  func.func @transform_4(%arg0: i32) -> (i32, i32) {
    %c0_i32 = arith.constant 0 : i32
    %c0_i32_0 = arith.constant 0 : i32
    %c0_i32_1 = arith.constant 0 : i32
    return %c0_i32, %c0_i32_0 : i32, i32
  }
  func.func @transform_5(%arg0: i32) -> (i32, i32) {
    %c0_i32 = arith.constant 0 : i32
    %c0_i32_0 = arith.constant 0 : i32
    %c0_i32_1 = arith.constant 0 : i32
    return %c0_i32, %c0_i32_0 : i32, i32
  }
  func.func @transform_6(%arg0: i32) -> (i32, i32) {
    %c0_i32 = arith.constant 0 : i32
    %c0_i32_0 = arith.constant 0 : i32
    %c0_i32_1 = arith.constant 0 : i32
    return %c0_i32, %c0_i32_0 : i32, i32
  }
  func.func @transform_7(%arg0: i32) -> i32 {
    %c0_i32 = arith.constant 0 : i32
    %c0_i32_0 = arith.constant 0 : i32
    return %c0_i32 : i32
  }
  func.func @transform_8(%arg0: i32) -> i32 {
    %c0_i32 = arith.constant 0 : i32
    %c0_i32_0 = arith.constant 0 : i32
    return %c0_i32 : i32
  }
  func.func @transform_9(%arg0: i32) -> i32 {
    %c0_i32 = arith.constant 0 : i32
    %c0_i32_0 = arith.constant 0 : i32
    return %c0_i32 : i32
  }
  func.func @transform_10(%arg0: i32) -> i32 {
    %c0_i32 = arith.constant 0 : i32
    %c0_i32_0 = arith.constant 0 : i32
    return %c0_i32 : i32
  }
}

</mosaic_0001>

<sc_bundles>
// kernel: kernel.4.cloned.1.call-start
scs
__scs_entry_jumppad:
0x0: {  	(pc) =	sbr.rel $0x88, $3  }
0x1: {  	(tag) =	ssettag $0x0;
	lr =	simm.s32 $0x1  }
0x2: {  	[smem:$0x3F96] =	sst lr;
	_ =	strace $0xD0000000  }
0x3: {  	_ = 	snop  }
0x4: {  	_ = 	snop  }
0x5: {  	_ = 	snop  }
0x6: {  	_ = 	snop  }
0x7: {  	_ = 	snop  }
__scs_overlays_trampoline_lowered:
0x8: {  	[smem:$0x3FA5] =	sst s0  }
0x9: {  	[smem:$0x3FA6] =	sst s1  }
0xa: {  	[smem:$0x3FA7] =	sst s2  }
0xb: {  	[smem:$0x3FA8] =	sst s3  }
0xc: {  	[smem:$0x3FA9] =	sst s4  }
0xd: {  	[smem:$0x3FAA] =	sst s5  }
0xe: {  	[smem:$0x3FAB] =	sst s6  }
0xf: {  	[smem:$0x3FAC] =	sst s7  }
0x10: {  	[smem:$0x3FAD] =	sst s8  }
0x11: {  	[smem:$0x3FAE] =	sst s9;
	s0 =	simm.s32 @!p0 $0x0  }
0x12: {  	s1 =	sld [smem:$0x3F94];
	s0 =	simm.s32 @p0 $0x1  }
0x13: {  	[smem:$0x3FAF] =	sst s0;
	s0 =	simm.s32 @!p1 $0x0  }
0x14: {  	s2 =	sld [smem:$0x3F93];
	s0 =	simm.s32 @p1 $0x1  }
0x15: {  	[smem:$0x3FB0] =	sst s0;
	s0 =	simm.s32 @!p2 $0x0  }
0x16: {  	s3 =	sld [smem:$0x3FDB];
	s0 =	simm.s32 @p2 $0x1  }
0x17: {  	s4 =	simm.s32 $0x1BF5;
	[smem:$0x3FB2] =	sst s0  }
0x18: {  	s0 =	sld [smem:$0x3F95];
	_ =	swait.ge [sflag:s4], $0x0  }
0x19: {  	s7 =	sld [smem:$0x3F96]  }
0x1a: {  	s8 =	sadd.s32 $0xFFFFE003, lr  }
0x1b: {  	s9 =	sadd.s32 $0xFFFFFEF7, lr;
	s5 =	simm.s32 $0xFFFFFFFF;
	p2 =	slt.u32 s8, $0xFFFFF086  }
0x1c: {  	p1 =	slt.u32 s9, $0xF7A;
	s5 =	simm.s32 @!p2 $0x0  }
0x1d: {  	s5 =	simm.s32 @p1 $0x1;
	p0 =	seq.s32 s7, s2  }
0x1e: {  	s7 =	smul.u32 @!p0 $0xF7A, s2;
	p2 =	seq.s32 @!p0 s5, $0x0  }
0x1f: {  	s9 =	smul.u32 $0xF7A, s1;
	s8 =	simm.s32 @!p0 $0x1BF5;
	p2 =	por !p2, p0  }
0x20: {  	[sflag:s8] =	ssyncset.s32 @!p0 $0xFFFFF086;
	s6 =	sadd.s32 @!p0 s3, s7;
	s7 =	simm.s32 @!p0 $0x108  }
0x21: {  	s3 =	sadd.s32 s3, s9;
	s6 =	sadd.s32 @!p0 $0x88, s6;
	s7 =	simm.s32 @p2 $0x1082  }
0x22: {  	[simem:s7], [sflag:s8] =	dma.local @!p0 [hbm:s6], $0xF7A  }
0x23: {  	s9 =	sor.u32 $0xD0000000, s2;
	s6 =	simm.s32 $0x108;
	_ =	swait.ge @!p0 [sflag:s8], $0x0  }
0x24: {  	s3 =	sadd.s32 $0x88, s3;
	s6 =	simm.s32 @!p1 $0x1082;
	[sflag:s4] =	ssyncset.s32 $0xFFFFF086  }
0x25: {  	[simem:s6], [sflag:s4] =	dma.local [hbm:s3], $0xF7A  }
0x26: {  	[smem:$0x3F96] =	sst s1;
	(tag) =	ssettag s2;
	_ =	strace s9  }
0x27: {  	s1 =	sld [smem:$0x3FA6]  }
0x28: {  	s2 =	sld [smem:$0x3FA7]  }
0x29: {  	s4 =	sld [smem:$0x3FA9]  }
0x2a: {  	p0 =	seq.s32 s5, $0x0;
	s5 =	sld [smem:$0x3FAA]  }
0x2b: {  	s6 =	sld [smem:$0x3FAB]  }
0x2c: {  	s7 =	sld [smem:$0x3FAC]  }
0x2d: {  	s3 =	simm.s32 $0x108;
	s8 =	sld [smem:$0x3FAD]  }
0x2e: {  	s3 =	simm.s32 @!p0 $0x1082;
	s9 =	sld [smem:$0x3FAE]  }
0x2f: {  	lr =	sadd.s32 s0, s3;
	s0 =	sld [smem:$0x3FA5]  }
0x30: {  	s3 =	sld [smem:$0x3FA8]  }
0x31: {  	[smem:$0x3FB1] =	sst s10  }
0x32: {  	s10 =	sld [smem:$0x3FAF];
	_ =	sdelay $0x3  }
0x33: {  	p0 =	seq.s32 s10, $0x1;
	s10 =	sld [smem:$0x3FB1];
	_ =	sdelay $0x3  }
0x34: {  	[smem:$0x3FB1] =	sst s10  }
0x35: {  	s10 =	sld [smem:$0x3FB0];
	_ =	sdelay $0x3  }
0x36: {  	p1 =	seq.s32 s10, $0x1;
	s10 =	sld [smem:$0x3FB1];
	_ =	sdelay $0x3  }
0x37: {  	[smem:$0x3FB1] =	sst s10  }
0x38: {  	s10 =	sld [smem:$0x3FB2]  }
0x39: {  	_ = 	snop;
	(pc) =	sbr.ind lr, $3  }
0x3a: {  	_ = 	snop  }
0x3b: {  	_ = 	snop  }
0x3c: {  	p2 =	seq.s32 s10, $0x1;
	s10 =	sld [smem:$0x3FB1]  }
0x3d: {  	_ =	shalt  }
0x3e: {  	_ =	shalt  }
0x3f: {  	_ =	shalt  }
0x40: {  	_ =	shalt  }
0x41: {  	_ =	shalt  }
0x42: {  	_ =	shalt  }
0x43: {  	_ =	shalt  }
0x44: {  	_ =	shalt  }
0x45: {  	_ =	shalt  }
0x46: {  	_ =	shalt  }
0x47: {  	_ =	shalt  }
0x48: {  	_ =	shalt  }
0x49: {  	_ =	shalt  }
0x4a: {  	_ =	shalt  }
0x4b: {  	_ =	shalt  }
0x4c: {  	_ =	shalt  }
0x4d: {  	_ =	shalt  }
0x4e: {  	_ =	shalt  }
0x4f: {  	_ =	shalt  }
0x50: {  	_ =	shalt  }
0x51: {  	_ =	shalt  }
0x52: {  	_ =	shalt  }
0x53: {  	_ =	shalt  }
0x54: {  	_ =	shalt  }
0x55: {  	_ =	shalt  }
0x56: {  	_ =	shalt  }
0x57: {  	_ =	shalt  }
0x58: {  	_ =	shalt  }
0x59: {  	_ =	shalt  }
0x5a: {  	_ =	shalt  }
0x5b: {  	_ =	shalt  }
0x5c: {  	_ =	shalt  }
0x5d: {  	_ =	shalt  }
0x5e: {  	_ =	shalt  }
0x5f: {  	_ =	shalt  }
0x60: {  	_ =	shalt  }
0x61: {  	_ =	shalt  }
0x62: {  	_ =	shalt  }
0x63: {  	_ =	shalt  }
0x64: {  	_ =	shalt  }
0x65: {  	_ =	shalt  }
0x66: {  	_ =	shalt  }
0x67: {  	_ =	shalt  }
0x68: {  	_ =	shalt  }
0x69: {  	_ =	shalt  }
0x6a: {  	_ =	shalt  }
0x6b: {  	_ =	shalt  }
0x6c: {  	_ =	shalt  }
0x6d: {  	_ =	shalt  }
0x6e: {  	_ =	shalt  }
0x6f: {  	_ =	shalt  }
0x70: {  	_ =	shalt  }
0x71: {  	_ =	shalt  }
0x72: {  	_ =	shalt  }
0x73: {  	_ =	shalt  }
0x74: {  	_ =	shalt  }
0x75: {  	_ =	shalt  }
0x76: {  	_ =	shalt  }
0x77: {  	_ =	shalt  }
0x78: {  	_ =	shalt  }
0x79: {  	_ =	shalt  }
0x7a: {  	_ =	shalt  }
0x7b: {  	_ =	shalt  }
0x7c: {  	_ =	shalt  }
0x7d: {  	_ =	shalt  }
0x7e: {  	_ =	shalt  }
0x7f: {  	_ =	shalt  }
0x80: {  	_ =	shalt  }
0x81: {  	_ =	shalt  }
0x82: {  	_ =	shalt  }
0x83: {  	_ =	shalt  }
0x84: {  	_ =	shalt  }
0x85: {  	_ =	shalt  }
0x86: {  	_ =	shalt  }
0x87: {  	_ =	shalt  }
.Lfunc_end0:
.L_simem_size_0:
called_computation_lowered:
.L_overlay_start_0:
0x88: {  	s2 =	sld [smem:$0x3FD9]  }
0x89: {  	s3 =	sld [smem:$0x3FFE];
	_ =	sdelay $0x1  }
0x8a: {  	s1 =	srdreg.scid  }
0x8b: {  	s0 =	sand.u32 $0x1, s1  }
0x8c: {  	s17 =	sshll.u32 s0, $0xA;
	s2 =	sadd.s32 s3, s2  }
0x8d: {  	s2 =	sadd.s32 s2, s17  }
0x8e: {  	[smem:$0x3FBD] =	sst s2  }
0x8f: {  	_ = 	snop  }
0x90: {  	s2 =	sld [smem:$0x3FC7]  }
0x91: {  	s18 =	sld [smem:$0x3FC6]  }
0x92: {  	s4 =	sld [smem:$0x3FC2]  }
0x93: {  	s5 =	sld [smem:$0x3FC1];
	(tm) =	ssettm $0x1  }
0x94: {  	s6 =	sld [smem:$0x3FFB];
	_ =	sdelay $0x3  }
0x95: {  	_ =	strace s6  }
0x96: {  	s6 =	sld [smem:$0x3FFC];
	_ =	sdelay $0x3  }
0x97: {  	_ =	strace s6  }
0x98: {  	s6 =	sld [smem:$0x3FFD];
	_ =	sdelay $0x3  }
0x99: {  	_ =	strace s6  }
0x9a: {  	_ =	strace $0x8FFFFFFF  }
0x9b: {  	s19 =	sld [smem:$0x3FDB];
	_ =	sdelay $0x1  }
0x9c: {  	s7 =	simm.s32 $_scs_section_size  }
0x9d: {  	s8 =	simm.s32 $_size__tile_overlayer_lowered;
	s9 =	simm.s32 $_tile_overlayer_lowered  }
0x9e: {  	s22 =	simm.s32 $0x1BFF;
	s21 =	sshll.u32 s9, $0x1;
	s6 =	sadd.s32 s7, s19  }
0x9f: {  	s10 =	simm.s32 $0x0;
	s20 =	sshll.u32 s8, $0x1;
	s8 =	sadd.s32 s21, s6  }
0xa0: {  	[timem:s10], [sflag:s22] =	dma.local [hbm:s8], s20  }
0xa1: {  	_ =	swait.ge [sflag:s22], s20  }
0xa2: {  	s7 =	ssub.s32 $0x0, s20;
	[sflag:s22] =	ssyncset.done $0x0  }
0xa3: {  	[sflag:s22] =	ssyncadd.s32 s7;
	_ =	sdelay $0x1  }
0xa4: {  	s23 =	simm.s32 $0x1B8B  }
0xa5: {  	_ =	swait.ge [sflag:s23], $0x1  }
0xa6: {  	[sflag:s23] =	ssyncset.done $0x0  }
0xa7: {  	s25 =	simm.s32 $0x1B8E;
	s24 =	sld [smem:$0x3FFE];
	[sflag:s23] =	ssyncadd.s32 $0xFFFFFFFF  }
0xa8: {  	s26 =	simm.s32 $execute0_lowered;
	[smem:$0x3FD2] =	sst s25  }
0xa9: {  	s8 =	sshll.u32 s26, $0x1;
	_ =	strace $0x80000046;
	[dreg:$0x1] =	wrdreg $0xFFFFFFFF  }
0xaa: {  	s28 =	simm.s32 $_size_execute0_lowered;
	s6 =	sadd.s32 s6, s8;
	[dreg:$0x0] =	wrdreg $0x0  }
0xab: {  	s8 =	sshll.u32 s28, $0x1;
	[dreg:$0x2] =	wrdreg s6  }
0xac: {  	[dreg:$0x3] =	wrdreg s8  }
0xad: {  	[dreg:$0x4] =	wrdreg $0xC0  }
0xae: {  	_ =	task [dreg:s10], $0x5FFFF  }
0xaf: {  	[dreg:$0x1] =	wrdreg $0xFFFFFFFF  }
0xb0: {  	[dreg:$0x0] =	wrdreg $0x60  }
0xb1: {  	[dreg:$0x2] =	wrdreg s2  }
0xb2: {  	[dreg:$0x3] =	wrdreg s4  }
0xb3: {  	[dreg:$0x4] =	wrdreg s18  }
0xb4: {  	[dreg:$0x5] =	wrdreg s5  }
0xb5: {  	[dreg:$0x6] =	wrdreg s24  }
0xb6: {  	[dreg:$0x7] =	wrdreg $0x9  }
0xb7: {  	_ =	task.clear_ibuf [dreg:s10], $0x8FFFF;
	_ =	strace $0x90000046  }
0xb8: {  	s29 =	simm.s32 $0x9;
	_ =	strace $0x80000048  }
0xb9: {  	_ =	swait.ge [sflag:s29], $0x1  }
0xba: {  	[sflag:s29] =	ssyncadd.s32 $0xFFFFFFFF  }
0xbb: {  	_ =	strace $0x90000048  }
0xbc: {  	_ =	sfence  }
0xbd: {  	s30 =	sld [smem:$0x0];
	_ =	sdelay $0x2  }
0xbe: {  	s31 =	sshll.u32 s1, $0xD;
	s1 =	sshrl.u32 s1, $0x2  }
0xbf: {  	s3 =	sand.u32 $0x4000, s31;
	s1 =	sadd.s32 s1, s30  }
0xc0: {  	s0 =	sor.u32 s3, s0;
	s1 =	sshll.u32 s1, $0x11  }
0xc1: {  	s0 =	sor.u32 s1, s0  }
0xc2: {  	s0 =	sadd.s32 $0x8F2B, s0  }
0xc3: {  	[sflag:s0] =	ssyncadd.remote.s32 $0x1  }
0xc4: {  	_ =	sfence.sel $0xFFFF  }
0xc5: {  	[dreg:$0x0] =	wrdreg $0xFFFFFFFF;
	(pc) =	sbr.abs _section_cstart, $3  }
0xc6: {  	[dreg:$0x1] =	wrdreg $0xFFFFFFFF  }
0xc7: {  	_ =	task.clear_ibuf [dreg:s10], $0x2FFFF;
	_ =	strace $0x9FFFFFFF  }
0xc8: {  	(tm) =	ssettm $0x7FFFFFFF  }
0xc9: {  	_ =	shalt  }
tec
execute0_lowered:
.L_overlay_start_1:
0x0: {  	(tag) =	ssettag $0x1  }
0x1: {  	s3 =	rddreg [dreg:$0x0]  }
0x2: {  	s4 =	rddreg [dreg:$0x1]  }
0x3: {  	s5 =	rddreg [dreg:$0x2]  }
0x4: {  	s6 =	rddreg [dreg:$0x3]  }
0x5: {  	s7 =	rddreg [dreg:$0x4]  }
0x6: {  	s0 =	rddreg [dreg:$0x5];
	s2 =	simm.s32 $0x0;
	s8 =	srdreg.scid  }
0x7: {  	s1 =	stileid.u32;
	s13 =	simm.s32 $0x400;
	s14 =	simm.s32 $0x1000  }
0x8: {  	s15 =	simm.s32 $0x2000;
	s16 =	simm.s32 $0x3000;
	s17 =	simm.s32 $0x4000  }
0x9: {  	s18 =	simm.s32 $0x1;
	s19 =	simm.s32 $0x5000;
	s20 =	simm.s32 $0x2  }
0xa: {  	s21 =	simm.s32 $0x5080;
	s22 =	simm.s32 $0x5100;
	s23 =	simm.s32 $0x0  }
0xb: {  	[smem:$0x7FF] =	sst s2;
	s8 =	sand.u32 $0x1, s8;
	s9 =	sshll.u32 s1, $0x1  }
0xc: {  	s10 =	sshll.u32 s1, $0xA;
	_ =	strace $0x80000047;
	s9 =	sor.u32 s8, s9  }
0xd: {  	s8 =	ssub.s32 $0x2, s8;
	s11 =	sshll.u32 s9, $0x5;
	s9 =	sshll.u32 s9, $0x4  }
0xe: {  	s12 =	sshrl.u32 s8, $0x1;
	s10 =	sor.u32 s10, s11;
	s30 =	sadd.s32 s9, s7  }
0xf: {  	s12 =	ssub.s32 s8, s12;
	s31 =	sand.u32 $0x3860, s10;
	s8 =	sadd.s32 $0x4000, s30  }
0x10: {  	s9 =	sadd.s32 $0x4200, s30;
	s10 =	sadd.s32 $0x4400, s30;
	s11 =	smax.u32 s12, $0x1  }
0x11: {  	s12 =	simm.s32 $0x100;
	s3 =	sadd.s32 s3, s31;
	s4 =	sadd.s32 s4, s31  }
0x12: {  	s5 =	sadd.s32 s5, s31;
	s6 =	sadd.s32 s6, s31;
	s7 =	sadd.s32 s7, s31  }
.LBB2_1:
0x13: {  	[tilespmem:s2], [sflag:$0x1] =	stream.strided.gather [hbm4b:s3+s12], $0x1000, s13, s12, $0x38;
	[tilespmem:$0x5180] =	vst v63  }
0x14: {  	_ = 	snop  }
0x15: {  	[tilespmem:s14], [sflag:$0x1] =	stream.strided.gather [hbm4b:s4+s12], $0x1000, s13, s12, $0x38;
	[tilespmem:$0x5180] =	vst v63  }
0x16: {  	_ = 	snop  }
0x17: {  	[tilespmem:s15], [sflag:$0x1] =	stream.strided.gather [hbm4b:s5+s12], $0x1000, s13, s12, $0x38;
	[tilespmem:$0x5180] =	vst v63  }
0x18: {  	_ = 	snop  }
0x19: {  	[tilespmem:s16], [sflag:$0x1] =	stream.strided.gather [hbm4b:s6+s12], $0x1000, s13, s12, $0x38;
	[tilespmem:$0x5180] =	vst v63  }
0x1a: {  	_ = 	snop  }
0x1b: {  	[tilespmem:s17], [sflag:$0x1] =	stream.strided.gather [hbm4b:s7+s12], $0x1000, s13, s12, $0x38;
	[tilespmem:$0x5180] =	vst v63  }
0x1c: {  	_ =	swait.ge [sflag:s18], $0x1000  }
0x1d: {  	[sflag:s18] =	ssyncset.done $0x0  }
0x1e: {  	[sflag:s18] =	ssyncadd.s32 $0xFFFFF000  }
0x1f: {  	_ =	swait.ge [sflag:s18], $0x1000  }
0x20: {  	[sflag:s18] =	ssyncset.done $0x0  }
0x21: {  	[sflag:s18] =	ssyncadd.s32 $0xFFFFF000  }
0x22: {  	_ =	swait.ge [sflag:s18], $0x1000  }
0x23: {  	[sflag:s18] =	ssyncset.done $0x0  }
0x24: {  	[sflag:s18] =	ssyncadd.s32 $0xFFFFF000  }
0x25: {  	_ =	swait.ge [sflag:s18], $0x1000  }
0x26: {  	[sflag:s18] =	ssyncset.done $0x0  }
0x27: {  	[sflag:s18] =	ssyncadd.s32 $0xFFFFF000  }
0x28: {  	_ =	swait.ge [sflag:s18], $0x1000  }
0x29: {  	s24 =	sand.u32 $0x70, s2;
	s25 =	sand.u32 $0xF00, s2;
	[sflag:s18] =	ssyncset.done $0x0  }
0x2a: {  	s26 =	sor.u32 s24, s25;
	[sflag:s18] =	ssyncadd.s32 $0xFFFFF000  }
0x2b: {  	v5 =	vld [tilespmem:s26+$0x1080]  }
0x2c: {  	v6 =	vld [tilespmem:s26+$0x80]  }
0x2d: {  	v0 =	vld [tilespmem:s26+$0x1000]  }
0x2e: {  	v2 =	vld [tilespmem:s26+$0x0]  }
0x2f: {  	v4 =	vld [tilespmem:s26+$0x3000]  }
0x30: {  	v7 =	vld [tilespmem:s26+$0x2000]  }
0x31: {  	s31 =	simm.s32 $0x10;
	s25 =	simm.s32 $0x20;
	v8 =	vld [tilespmem:s26+$0x3080]  }
0x32: {  	s24 =	sand.u32 $0x70, s31;
	s28 =	sand.u32 $0xF00, s25;
	v9 =	vld [tilespmem:s26+$0x2080]  }
0x33: {  	s24 =	sor.u32 s24, s28;
	v1 =	vld [tilespmem:s26+$0x4000]  }
0x34: {  	v3 =	vld [tilespmem:s24+$0x1080];
	v2 =	vsub.f32 v0, v2  }
0x35: {  	v0 =	vld [tilespmem:s26+$0x4080];
	v7 =	vsub.f32 v4, v7  }
0x36: {  	v4 =	vimm.f32 $0.0e+00;
	v6 =	vsub.f32 v5, v6;
	v5 =	vld [tilespmem:s24+$0x1000];
	v10 =	vmul.f32 v2, v2  }
0x37: {  	v9 =	vsub.f32 v8, v9;
	v8 =	vld [tilespmem:s24+$0x0];
	v11 =	vmul.f32 v7, v7;
	v7 =	vimm.f32 $0.0e+00  }
0x38: {  	s26 =	simm.s32 $0x20;
	v2 =	vld [tilespmem:s24+$0x80];
	v12 =	vmul.f32 v10, v1;
	v10 =	vmul.f32 v6, v6;
	v6 =	vimm.f32 $0.0e+00  }
.LBB2_2:
0x39: {  	p0 =	sne.s32 s26, $0x7F0;
	v13 =	vld [tilespmem:s24+$0x3000];
	v11 =	vmul.f32 v11, v1;
	v9 =	vmul.f32 v9, v9  }
0x3a: {  	v14 =	vld [tilespmem:s24+$0x2000];
	v4 =	vadd.f32 v12, v4;
	v10 =	vmul.f32 v10, v0;
	v12 =	vmov v3  }
0x3b: {  	v6 =	vadd.f32 v1, v6;
	v15 =	vld [tilespmem:s24+$0x3080];
	v3 =	vadd.f32 v11, v7;
	v7 =	vmul.f32 v9, v0  }
0x3c: {  	s25 =	sadd.s32 $0x20, s25;
	v9 =	vld [tilespmem:s24+$0x2080];
	v4 =	vadd.f32 v10, v4  }
0x3d: {  	s28 =	sand.u32 $0x70, s26;
	s29 =	sand.u32 $0xF00, s25;
	v6 =	vadd.f32 v0, v6;
	v1 =	vld [tilespmem:s24+$0x4000];
	v7 =	vadd.f32 v7, v3  }
.Ltmp0:
0x3e: {  	v5 =	vsub.f32 v5, v8;
	v0 =	vld [tilespmem:s24+$0x4080];
	s24 =	sor.u32 s28, s29;
	(pc) =	sbr.rel @p0 .LBB2_2-.Ltmp0, $4  }
0x3f: {  	v3 =	vld [tilespmem:s24+$0x1080];
	v8 =	vsub.f32 v13, v14  }
0x40: {  	v10 =	vmul.f32 v5, v5;
	v13 =	vsub.f32 v12, v2;
	v2 =	vld [tilespmem:s24+$0x80]  }
0x41: {  	v5 =	vld [tilespmem:s24+$0x1000];
	v11 =	vmul.f32 v8, v8;
	v9 =	vsub.f32 v15, v9  }
0x42: {  	s26 =	sadd.s32 $0x10, s26;
	v8 =	vld [tilespmem:s24+$0x0];
	v12 =	vmul.f32 v10, v1;
	v10 =	vmul.f32 v13, v13  }
0x43: {  	v13 =	vld [tilespmem:s24+$0x3000]  }
0x44: {  	v14 =	vld [tilespmem:s24+$0x2000]  }
0x45: {  	v15 =	vld [tilespmem:s24+$0x3080]  }
0x46: {  	v11 =	vmul.f32 v11, v1;
	v16 =	vld [tilespmem:s24+$0x2080]  }
0x47: {  	v50 =	vld [tilespmem:s24+$0x4000];
	v55 =	vadd.f32 v1, v6;
	v4 =	vadd.f32 v12, v4  }
0x48: {  	v51 =	vmul.f32 v9, v9;
	v7 =	vadd.f32 v11, v7;
	v5 =	vsub.f32 v5, v8  }
0x49: {  	v54 =	vld [tilespmem:s24+$0x4080];
	v52 =	vmul.f32 v10, v0;
	v2 =	vsub.f32 v3, v2;
	v53 =	vsub.f32 v13, v14  }
0x4a: {  	v56 =	vmul.f32 v51, v0;
	v60 =	vadd.f32 v0, v55;
	v5 =	vmul.f32 v5, v5  }
0x4b: {  	v4 =	vadd.f32 v52, v4;
	v58 =	vsub.f32 v15, v16;
	v57 =	vmul.f32 v53, v53  }
0x4c: {  	v2 =	vmul.f32 v2, v2;
	v3 =	vadd.f32 v56, v7;
	v5 =	vmul.f32 v5, v50  }
0x4d: {  	v0 =	vadd.f32 v50, v60;
	v59 =	vmul.f32 v58, v58;
	v6 =	vmul.f32 v57, v50  }
0x4e: {  	v2 =	vmul.f32 v2, v54;
	v61 =	vadd.f32 v5, v4  }
0x4f: {  	v0 =	vadd.f32 v54, v0;
	v62 =	vmul.f32 v59, v54;
	v3 =	vadd.f32 v6, v3  }
0x50: {  	v1 =	vadd.f32 v2, v61  }
0x51: {  	[tilespmem:$0x5100] =	vst v0;
	v63 =	vadd.f32 v62, v3  }
0x52: {  	[tilespmem:$0x5000] =	vst v1  }
0x53: {  	[tilespmem:$0x5080] =	vst v63  }
0x54: {  	[hbm4b:s8+s2] =	stream.linear.scatter [tilespmem:s19], [sflag:$0x2], $0x80, $0x38;
	[tilespmem:$0x5180] =	vst v63  }
0x55: {  	_ =	swait.ge [sflag:s20], $0x80  }
0x56: {  	[sflag:s20] =	ssyncset.done $0x0  }
0x57: {  	[sflag:s20] =	ssyncadd.s32 $0xFFFFFF80  }
0x58: {  	[hbm4b:s9+s2] =	stream.linear.scatter [tilespmem:s21], [sflag:$0x2], $0x80, $0x38;
	[tilespmem:$0x5180] =	vst v63  }
0x59: {  	s23 =	sadd.s32 $0x1, s23;
	_ =	swait.ge [sflag:s20], $0x80  }
0x5a: {  	p0 =	sne.s32 s23, s11;
	[sflag:s20] =	ssyncset.done $0x0  }
.Ltmp1:
0x5b: {  	[sflag:s20] =	ssyncadd.s32 $0xFFFFFF80;
	(pc) =	sbr.rel @p0 .LBB2_1-.Ltmp1, $4  }
0x5c: {  	[hbm4b:s10+s2] =	stream.linear.scatter [tilespmem:s22], [sflag:$0x2], $0x80, $0x38;
	[tilespmem:$0x5180] =	vst v63  }
0x5d: {  	_ =	swait.ge [sflag:s20], $0x80  }
0x5e: {  	[sflag:s20] =	ssyncset.done $0x0  }
0x5f: {  	[sflag:s20] =	ssyncadd.s32 $0xFFFFFF80  }
0x60: {  	_ =	sfence.sel $0x180000  }
0x61: {  	[bflag:$0x0] =	sbarrier.arrive $0xFFFF  }
0x62: {  	p0 =	sne.s32 s1, $0x0;
	_ =	strace $0x90000047  }
0x63: {  	s0 =	sadd.s32 @!p0 $0x100000, s0;
	[bflag:$0x2] =	sbarrier.arrive $0xFFFF  }
0x64: {  	[sflag:s0] =	ssyncadd.tile.s32 @!p0 $0x1;
	_ =	shalt  }
.Lfunc_end2:
_tile_overlayer_lowered:
.L_overlay_start_2:
0x65: {  	(tag) =	ssettag $0x2  }
0x66: {  	s0 =	rddreg [dreg:$0x0];
	s2 =	stileid.u32  }
0x67: {  	s1 =	rddreg [dreg:$0x1];
	p0 =	sne.s32 s2, $0x0  }
0x68: {  	s3 =	rddreg [dreg:$0x2];
	[bflag:$0x3] =	sbarrier.arrive $0xFFFF;
	s2 =	simm.s32 @!p0 $0x1C02  }
0x69: {  	[timem:s3], [sflag:s2] =	dma.local @!p0 [hbm:s0], s1  }
0x6a: {  	s0 =	simm.s32 @!p0 $0x2  }
0x6b: {  	_ =	swait.ge @!p0 [sflag:s0], s1  }
0x6c: {  	s1 =	ssub.s32 @!p0 $0x0, s1;
	[sflag:s0] =	ssyncset.done @!p0 $0x0  }
0x6d: {  	[sflag:s0] =	ssyncadd.s32 @!p0 s1  }
0x6e: {  	[bflag:$0x3] =	sbarrier.arrive $0xFFFF  }
0x6f: {  	_ =	shalt  }

</sc_bundles>
